<compile_context>
chip_gen: v7x
topology: tpu7x:2x2x1
jax: 0.10.2.dev20260603
libtpu: 0.0.44.dev20260713+nightly
codegen_flags: <defaults>
</compile_context>

<pallas_src>
import functools
import math

import jax
import jax.numpy as jnp
from jax.experimental import pallas as pl


_N_EXP = 8
_TOP_K = 2
_CAP_FACTOR = 1.25
_MIN_CAP = 4


def _routing_kernel(x_ref, wg_ref, route_ref, uc_ref, *, capacity):
    x = x_ref[:]
    wg = wg_ref[:]
    logits = jax.lax.dot_general(
        x, wg, (((1,), (1,)), ((), ())),
        preferred_element_type=jnp.float32)
    T, E = logits.shape
    lane = jax.lax.broadcasted_iota(jnp.int32, (T, E), 1)

    m0 = jnp.max(logits, axis=1, keepdims=True)
    idx0 = jnp.min(jnp.where(logits == m0, lane, E), axis=1,
                   keepdims=True)
    masked = jnp.where(lane == idx0, -jnp.inf, logits)
    m1 = jnp.max(masked, axis=1, keepdims=True)
    idx1 = jnp.min(jnp.where(masked == m1, lane, E), axis=1,
                   keepdims=True)

    s = jnp.exp(m1 - m0)
    denom = 1.0 + s
    p0 = 1.0 / denom
    p1 = s / denom

    cnt0 = (lane == idx0).astype(jnp.float32)
    cnt1 = (lane == idx1).astype(jnp.float32)

    cnt = jnp.concatenate([cnt0, cnt1], axis=1).astype(jnp.bfloat16)
    row = jax.lax.broadcasted_iota(jnp.int32, (T, T), 0)
    col = jax.lax.broadcasted_iota(jnp.int32, (T, T), 1)
    tri = (row >= col).astype(jnp.bfloat16)
    csum = jax.lax.dot_general(
        tri, cnt, (((1,), (0,)), ((), ())),
        preferred_element_type=jnp.float32)
    csum0 = csum[:, :E]
    csum1 = csum[:, E:]
    total0 = csum0[T - 1:T, :]
    rank0_full = csum0 - cnt0
    rank1_full = total0 + csum1 - cnt1
    r0 = jnp.sum(rank0_full * cnt0, axis=1, keepdims=True)
    r1 = jnp.sum(rank1_full * cnt1, axis=1, keepdims=True)

    keep0 = (r0 < capacity).astype(jnp.float32)
    keep1 = (r1 < capacity).astype(jnp.float32)
    uc_ref[:] = jnp.sum(cnt0 * keep0 + cnt1 * keep1, axis=0, keepdims=True)

    zeros = jnp.zeros_like(p0)
    route_ref[:] = jnp.concatenate(
        [idx0.astype(jnp.float32), idx1.astype(jnp.float32),
         p0, p1, r0, r1, zeros, zeros], axis=1)


def _dispatch_kernel_f32(route_ref, cb_ref, mask_ref, *, capacity):
    r = route_ref[:]
    Tb = r.shape[0]
    idx0 = r[:, 0:1].astype(jnp.int32)
    idx1 = r[:, 1:2].astype(jnp.int32)
    p0 = r[:, 2:3]
    p1 = r[:, 3:4]
    r0 = r[:, 4:5].astype(jnp.int32)
    r1 = r[:, 5:6].astype(jnp.int32)
    t0 = jnp.where(r0 < capacity, idx0 * capacity + r0, -1)
    t1 = jnp.where(r1 < capacity, idx1 * capacity + r1, -1)
    col = jax.lax.broadcasted_iota(jnp.int32, (Tb, _N_EXP * capacity), 1)
    v0 = jnp.where(col == t0, p0, 0.0)
    v1 = jnp.where(col == t1, p1, 0.0)
    out = v0 + v1
    cb_ref[:] = out
    mask_ref[:] = out != 0.0


def _dispatch_kernel(route_ref, cb_ref, mask_ref, *, capacity):
    r = route_ref[:]
    Tb = r.shape[0]
    idx0 = r[:, 0:1].reshape(Tb, 1, 1).astype(jnp.int32)
    idx1 = r[:, 1:2].reshape(Tb, 1, 1).astype(jnp.int32)
    p0 = r[:, 2:3].reshape(Tb, 1, 1)
    p1 = r[:, 3:4].reshape(Tb, 1, 1)
    r0 = r[:, 4:5].reshape(Tb, 1, 1).astype(jnp.int32)
    r1 = r[:, 5:6].reshape(Tb, 1, 1).astype(jnp.int32)
    shp = (Tb, _N_EXP, capacity)
    e_io = jax.lax.broadcasted_iota(jnp.int32, shp, 1)
    c_io = jax.lax.broadcasted_iota(jnp.int32, shp, 2)
    v0 = jnp.where((e_io == idx0) & (c_io == r0), p0, 0.0)
    v1 = jnp.where((e_io == idx1) & (c_io == r1), p1, 0.0)
    out = v0 + v1
    cb_ref[:] = out
    mask_ref[:] = out != 0.0


def kernel(x, w_g):
    Bx, Tx, H = x.shape
    num_tokens = Bx * Tx
    E = w_g.shape[0]
    capacity = int(max(math.floor(_TOP_K * _CAP_FACTOR * num_tokens / E),
                       _MIN_CAP))
    x_flat = x.reshape(num_tokens, H)

    route, uc = pl.pallas_call(
        functools.partial(_routing_kernel, capacity=capacity),
        out_shape=[
            jax.ShapeDtypeStruct((num_tokens, E), jnp.float32),
            jax.ShapeDtypeStruct((1, E), jnp.float32),
        ],
    )(x_flat, w_g)
    used_capacity = uc.reshape(E).astype(jnp.int32)

    Tb = 128
    cb, mask = pl.pallas_call(
        functools.partial(_dispatch_kernel_f32, capacity=capacity),
        grid=(num_tokens // Tb,),
        in_specs=[pl.BlockSpec((Tb, E), lambda i: (i, 0))],
        out_specs=[
            pl.BlockSpec((Tb, E * capacity), lambda i: (i, 0)),
            pl.BlockSpec((Tb, E * capacity), lambda i: (i, 0)),
        ],
        out_shape=[
            jax.ShapeDtypeStruct((num_tokens, E * capacity), jnp.float32),
            jax.ShapeDtypeStruct((num_tokens, E * capacity), jnp.bool_),
        ],
    )(route)
    cb = cb.reshape(num_tokens, E, capacity)
    mask = mask.reshape(num_tokens, E, capacity)
    return (used_capacity, cb, mask)

# --- scband reference (transcript-rebuilt; emitter-appended) ---
"""Pipeline reference for scband-router-34720515621320 (READ-ONLY COPY).

The authoritative reference and input builder live on the scoring server;
editing this copy changes nothing except your own understanding.
"""

import jax, jax.numpy as jnp
import numpy as np
import math

N_EXP = 8
TOP_K = 2
N_EMBD = 2048
CAP_FACTOR = 1.25  # train_capacity == eval_capacity == 1.25 so capacity is mode-independent
MIN_CAP = 4
B, T = 1, 2048


def setup_inputs(seed: int = 0) -> dict:
    key = jax.random.key(seed)
    k1, k2 = jax.random.split(key)
    x = jax.random.normal(k1, (B, T, N_EMBD), dtype=jnp.float32)
    # w_g: nn.Linear(n_embd, n_experts, bias=False) weight, torch layout [out, in]
    w_g = jax.random.normal(k2, (N_EXP, N_EMBD), dtype=jnp.float32) * (1.0 / math.sqrt(N_EMBD))
    return {"x": x, "w_g": w_g}


def _get_capacity(tokens_per_batch: int) -> int:
    capacity = math.floor(TOP_K * CAP_FACTOR * tokens_per_batch / N_EXP)
    return int(max(capacity, MIN_CAP))


def reference(x, w_g):
    Bx, Tx, hidden_dim = x.shape
    num_tokens = Bx * Tx
    x_flat = x.reshape(num_tokens, hidden_dim)
    # gating logits
    logits = x_flat @ w_g.T  # [num_tokens, n_exp]
    # top-k selection
    top_k_logits, top_k_indices = jax.lax.top_k(logits, TOP_K)
    # scatter top-k logits into -inf tensor, then softmax
    rows = jnp.arange(num_tokens)[:, None]
    router_probs = jnp.full_like(logits, -jnp.inf)
    router_probs = router_probs.at[rows, top_k_indices].set(top_k_logits)
    router_probs = jax.nn.softmax(router_probs, axis=-1)
    capacity = _get_capacity(num_tokens)
    # expert mask [num_tokens, top_k, n_exp] -> [top_k, num_tokens, n_exp]
    exp_mask = jax.nn.one_hot(top_k_indices, N_EXP, dtype=jnp.int32)
    exp_mask = exp_mask.reshape(num_tokens, TOP_K, N_EXP)
    exp_mask = jnp.transpose(exp_mask, (1, 0, 2))
    # position of each token within its expert buffer (cumsum rank)
    exp_rank = exp_mask.reshape(TOP_K * num_tokens, N_EXP)
    exp_rank = jnp.cumsum(exp_rank, axis=0) - 1
    exp_rank = exp_rank.reshape(TOP_K, num_tokens, N_EXP)
    # drop tokens exceeding capacity
    exp_mask = exp_mask * (exp_rank < capacity).astype(jnp.int32)
    used_capacity = jnp.sum(exp_mask, axis=(0, 1))
    exp_rank = jnp.sum(exp_mask * exp_rank, axis=-1)  # [top_k, num_tokens]
    # combine weights
    router_probs = router_probs.reshape(num_tokens, N_EXP)[None, :, :]
    exp_weights = exp_mask.astype(jnp.float32) * router_probs  # [top_k, num_tokens, n_exp]
    exp_rank_sc = jax.nn.one_hot(exp_rank, capacity, dtype=jnp.float32)  # [top_k, num_tokens, capacity]
    cb_weight = jnp.sum(exp_weights[:, :, :, None] * exp_rank_sc[:, :, None, :], axis=0)  # [num_tokens, n_exp, capacity]
    sec_mask = cb_weight.astype(bool)
    return (used_capacity, cb_weight, sec_mask)

if __name__ == "__main__":
    import jax
    _d = setup_inputs()
    print(jax.jit(kernel)(*tuple(_d.values())))

</pallas_src>

<mosaic_0001>
module attributes {stable_mosaic.version = 14 : i64} {
  func.func @_routing_kernel(%arg0: memref<2048x2048xf32, #tpu.memory_space<vmem>>, %arg1: memref<8x2048xf32, #tpu.memory_space<vmem>>, %arg2: memref<2048x8xf32, #tpu.memory_space<vmem>>, %arg3: memref<1x8xf32, #tpu.memory_space<vmem>>) attributes {dimension_semantics = [], scalar_prefetch = 0 : i64, scratch_operands = 0 : i64, tpu.core_type = #tpu.core_type<tc>} {
    %get3A = arith.constant 0 : index
    %get3A_0 = arith.constant 0 : index
    %get3A_1 = vector.load %arg0[%get3A, %get3A_0] : memref<2048x2048xf32, #tpu.memory_space<vmem>>, vector<2048x2048xf32>
    %get3A_2 = arith.constant 0 : index
    %get3A_3 = arith.constant 0 : index
    %get3A_4 = vector.load %arg1[%get3A_2, %get3A_3] : memref<8x2048xf32, #tpu.memory_space<vmem>>, vector<8x2048xf32>
    %dot_general3A = arith.constant dense<0.000000e+00> : vector<2048x8xf32>
    %dot_general3A_5 = tpu.matmul %get3A_1, %get3A_4, %dot_general3A {dimension_numbers = #tpu.dot_dimension_numbers<[1], [1], [0], [0], [0, 0, 1, 0], [], []>, transpose_lhs_hint = false} : vector<2048x2048xf32>, vector<8x2048xf32>, vector<2048x8xf32> -> vector<2048x8xf32>
    %iota3A = tpu.iota {dimensions = array<i32: 1>} : vector<2048x8xi32>
    %reduce_max3A = arith.constant dense<0xFF800000> : vector<2048xf32>
    %reduce_max3A_6 = vector.multi_reduction <maximumf>, %dot_general3A_5, %reduce_max3A [1] : vector<2048x8xf32> to vector<2048xf32>
    %broadcast_in_dim3A = vector.shape_cast %reduce_max3A_6 : vector<2048xf32> to vector<2048x1xf32>
    %eq3A = vector.broadcast %broadcast_in_dim3A : vector<2048x1xf32> to vector<2048x8xf32>
    %eq3A_7 = arith.cmpf oeq, %dot_general3A_5, %eq3A : vector<2048x8xf32>
    %jit3A = arith.constant 8 : i32
    %broadcast_in_dim3A_8 = vector.broadcast %jit3A : i32 to vector<2048x8xi32>
    %select_n3A = arith.select %eq3A_7, %iota3A, %broadcast_in_dim3A_8 : vector<2048x8xi1>, vector<2048x8xi32>
    %reduce_min3A = arith.constant dense<2147483647> : vector<2048xi32>
    %reduce_min3A_9 = vector.multi_reduction <minsi>, %select_n3A, %reduce_min3A [1] : vector<2048x8xi32> to vector<2048xi32>
    %broadcast_in_dim3A_10 = vector.shape_cast %reduce_min3A_9 : vector<2048xi32> to vector<2048x1xi32>
    %eq3A_11 = vector.broadcast %broadcast_in_dim3A_10 : vector<2048x1xi32> to vector<2048x8xi32>
    %eq3A_12 = arith.cmpi eq, %iota3A, %eq3A_11 : vector<2048x8xi32>
    %jit3A_13 = arith.constant 0xFF800000 : f32
    %broadcast_in_dim3A_14 = vector.broadcast %jit3A_13 : f32 to vector<2048x8xf32>
    %select_n3A_15 = arith.select %eq3A_12, %broadcast_in_dim3A_14, %dot_general3A_5 : vector<2048x8xi1>, vector<2048x8xf32>
    %reduce_max3A_16 = arith.constant dense<0xFF800000> : vector<2048xf32>
    %reduce_max3A_17 = vector.multi_reduction <maximumf>, %select_n3A_15, %reduce_max3A_16 [1] : vector<2048x8xf32> to vector<2048xf32>
    %broadcast_in_dim3A_18 = vector.shape_cast %reduce_max3A_17 : vector<2048xf32> to vector<2048x1xf32>
    %eq3A_19 = vector.broadcast %broadcast_in_dim3A_18 : vector<2048x1xf32> to vector<2048x8xf32>
    %eq3A_20 = arith.cmpf oeq, %select_n3A_15, %eq3A_19 : vector<2048x8xf32>
    %jit3A_21 = arith.constant 8 : i32
    %broadcast_in_dim3A_22 = vector.broadcast %jit3A_21 : i32 to vector<2048x8xi32>
    %select_n3A_23 = arith.select %eq3A_20, %iota3A, %broadcast_in_dim3A_22 : vector<2048x8xi1>, vector<2048x8xi32>
    %reduce_min3A_24 = arith.constant dense<2147483647> : vector<2048xi32>
    %reduce_min3A_25 = vector.multi_reduction <minsi>, %select_n3A_23, %reduce_min3A_24 [1] : vector<2048x8xi32> to vector<2048xi32>
    %broadcast_in_dim3A_26 = vector.shape_cast %reduce_min3A_25 : vector<2048xi32> to vector<2048x1xi32>
    %sub3A = arith.subf %broadcast_in_dim3A_18, %broadcast_in_dim3A : vector<2048x1xf32>
    %exp3A = math.exp %sub3A : vector<2048x1xf32>
    %add3A = arith.constant 1.000000e+00 : f32
    %add3A_27 = vector.broadcast %add3A : f32 to vector<2048x1xf32>
    %add3A_28 = arith.addf %add3A_27, %exp3A : vector<2048x1xf32>
    %div3A = arith.constant 1.000000e+00 : f32
    %div3A_29 = vector.broadcast %div3A : f32 to vector<2048x1xf32>
    %div3A_30 = arith.divf %div3A_29, %add3A_28 : vector<2048x1xf32>
    %div3A_31 = arith.divf %exp3A, %add3A_28 : vector<2048x1xf32>
    %eq3A_32 = vector.broadcast %broadcast_in_dim3A_10 : vector<2048x1xi32> to vector<2048x8xi32>
    %eq3A_33 = arith.cmpi eq, %iota3A, %eq3A_32 : vector<2048x8xi32>
    %convert_element_type3A = arith.extui %eq3A_33 : vector<2048x8xi1> to vector<2048x8xi32>
    %convert_element_type3A_34 = arith.sitofp %convert_element_type3A : vector<2048x8xi32> to vector<2048x8xf32>
    %eq3A_35 = vector.broadcast %broadcast_in_dim3A_26 : vector<2048x1xi32> to vector<2048x8xi32>
    %eq3A_36 = arith.cmpi eq, %iota3A, %eq3A_35 : vector<2048x8xi32>
    %convert_element_type3A_37 = arith.extui %eq3A_36 : vector<2048x8xi1> to vector<2048x8xi32>
    %convert_element_type3A_38 = arith.sitofp %convert_element_type3A_37 : vector<2048x8xi32> to vector<2048x8xf32>
    %concatenate3A = tpu.concatenate %convert_element_type3A_34, %convert_element_type3A_38 in 1 : vector<2048x8xf32>, vector<2048x8xf32> -> vector<2048x16xf32>
    %convert_element_type3A_39 = arith.truncf %concatenate3A : vector<2048x16xf32> to vector<2048x16xbf16>
    %iota3A_40 = tpu.iota {dimensions = array<i32: 0>} : vector<2048x2048xi32>
    %iota3A_41 = tpu.iota {dimensions = array<i32: 1>} : vector<2048x2048xi32>
    %ge3A = arith.cmpi sge, %iota3A_40, %iota3A_41 : vector<2048x2048xi32>
    %convert_element_type3A_42 = arith.extui %ge3A : vector<2048x2048xi1> to vector<2048x2048xi32>
    %convert_element_type3A_43 = arith.sitofp %convert_element_type3A_42 : vector<2048x2048xi32> to vector<2048x2048xf32>
    %convert_element_type3A_44 = arith.truncf %convert_element_type3A_43 : vector<2048x2048xf32> to vector<2048x2048xbf16>
    %dot_general3A_45 = arith.constant dense<0.000000e+00> : vector<2048x16xf32>
    %dot_general3A_46 = tpu.matmul %convert_element_type3A_44, %convert_element_type3A_39, %dot_general3A_45 {dimension_numbers = #tpu.dot_dimension_numbers<[1], [0], [0], [1], [0, 0, 1, 1], [], []>, transpose_lhs_hint = false} : vector<2048x2048xbf16>, vector<2048x16xbf16>, vector<2048x16xf32> -> vector<2048x16xf32>
    %slice3A = vector.extract_strided_slice %dot_general3A_46 {offsets = [0, 0], sizes = [2048, 8], strides = [1, 1]} : vector<2048x16xf32> to vector<2048x8xf32>
    %slice3A_47 = vector.extract_strided_slice %dot_general3A_46 {offsets = [0, 8], sizes = [2048, 8], strides = [1, 1]} : vector<2048x16xf32> to vector<2048x8xf32>
    %slice3A_48 = vector.extract_strided_slice %slice3A {offsets = [2047, 0], sizes = [1, 8], strides = [1, 1]} : vector<2048x8xf32> to vector<1x8xf32>
    %sub3A_49 = arith.subf %slice3A, %convert_element_type3A_34 : vector<2048x8xf32>
    %add3A_50 = vector.broadcast %slice3A_48 : vector<1x8xf32> to vector<2048x8xf32>
    %add3A_51 = arith.addf %add3A_50, %slice3A_47 : vector<2048x8xf32>
    %sub3A_52 = arith.subf %add3A_51, %convert_element_type3A_38 : vector<2048x8xf32>
    %mul3A = arith.mulf %sub3A_49, %convert_element_type3A_34 : vector<2048x8xf32>
    %reduce_sum3A = arith.constant dense<0.000000e+00> : vector<2048xf32>
    %reduce_sum3A_53 = vector.multi_reduction <add>, %mul3A, %reduce_sum3A [1] : vector<2048x8xf32> to vector<2048xf32>
    %broadcast_in_dim3A_54 = vector.shape_cast %reduce_sum3A_53 : vector<2048xf32> to vector<2048x1xf32>
    %mul3A_55 = arith.mulf %sub3A_52, %convert_element_type3A_38 : vector<2048x8xf32>
    %reduce_sum3A_56 = arith.constant dense<0.000000e+00> : vector<2048xf32>
    %reduce_sum3A_57 = vector.multi_reduction <add>, %mul3A_55, %reduce_sum3A_56 [1] : vector<2048x8xf32> to vector<2048xf32>
    %broadcast_in_dim3A_58 = vector.shape_cast %reduce_sum3A_57 : vector<2048xf32> to vector<2048x1xf32>
    %lt3A = arith.constant 6.400000e+02 : f32
    %lt3A_59 = vector.broadcast %lt3A : f32 to vector<2048x1xf32>
    %lt3A_60 = arith.cmpf olt, %broadcast_in_dim3A_54, %lt3A_59 : vector<2048x1xf32>
    %convert_element_type3A_61 = arith.extui %lt3A_60 : vector<2048x1xi1> to vector<2048x1xi32>
    %convert_element_type3A_62 = arith.sitofp %convert_element_type3A_61 : vector<2048x1xi32> to vector<2048x1xf32>
    %lt3A_63 = arith.constant 6.400000e+02 : f32
    %lt3A_64 = vector.broadcast %lt3A_63 : f32 to vector<2048x1xf32>
    %lt3A_65 = arith.cmpf olt, %broadcast_in_dim3A_58, %lt3A_64 : vector<2048x1xf32>
    %convert_element_type3A_66 = arith.extui %lt3A_65 : vector<2048x1xi1> to vector<2048x1xi32>
    %convert_element_type3A_67 = arith.sitofp %convert_element_type3A_66 : vector<2048x1xi32> to vector<2048x1xf32>
    %mul3A_68 = vector.broadcast %convert_element_type3A_62 : vector<2048x1xf32> to vector<2048x8xf32>
    %mul3A_69 = arith.mulf %convert_element_type3A_34, %mul3A_68 : vector<2048x8xf32>
    %mul3A_70 = vector.broadcast %convert_element_type3A_67 : vector<2048x1xf32> to vector<2048x8xf32>
    %mul3A_71 = arith.mulf %convert_element_type3A_38, %mul3A_70 : vector<2048x8xf32>
    %add3A_72 = arith.addf %mul3A_69, %mul3A_71 : vector<2048x8xf32>
    %reduce_sum3A_73 = arith.constant dense<0.000000e+00> : vector<8xf32>
    %reduce_sum3A_74 = vector.multi_reduction <add>, %add3A_72, %reduce_sum3A_73 [0] : vector<2048x8xf32> to vector<8xf32>
    %broadcast_in_dim3A_75 = vector.shape_cast %reduce_sum3A_74 : vector<8xf32> to vector<1x8xf32>
    %swap3A = arith.constant 0 : index
    %swap3A_76 = arith.constant 0 : index
    %swap3A_77 = vector.load %arg3[%swap3A, %swap3A_76] : memref<1x8xf32, #tpu.memory_space<vmem>>, vector<1x8xf32>
    tpu.vector_store %arg3[%swap3A, %swap3A_76], %broadcast_in_dim3A_75 {strides = array<i32>} : memref<1x8xf32, #tpu.memory_space<vmem>>, vector<1x8xf32>,
    %broadcast_in_dim3A_78 = arith.constant 0.000000e+00 : f32
    %broadcast_in_dim3A_79 = vector.broadcast %broadcast_in_dim3A_78 : f32 to vector<2048x1xf32>
    %convert_element_type3A_80 = arith.sitofp %broadcast_in_dim3A_10 : vector<2048x1xi32> to vector<2048x1xf32>
    %convert_element_type3A_81 = arith.sitofp %broadcast_in_dim3A_26 : vector<2048x1xi32> to vector<2048x1xf32>
    %concatenate3A_82 = tpu.concatenate %convert_element_type3A_80, %convert_element_type3A_81, %div3A_30, %div3A_31, %broadcast_in_dim3A_54, %broadcast_in_dim3A_58, %broadcast_in_dim3A_79, %broadcast_in_dim3A_79 in 1 : vector<2048x1xf32>, vector<2048x1xf32>, vector<2048x1xf32>, vector<2048x1xf32>, vector<2048x1xf32>, vector<2048x1xf32>, vector<2048x1xf32>, vector<2048x1xf32> -> vector<2048x8xf32>
    %swap3A_83 = arith.constant 0 : index
    %swap3A_84 = arith.constant 0 : index
    %swap3A_85 = vector.load %arg2[%swap3A_83, %swap3A_84] : memref<2048x8xf32, #tpu.memory_space<vmem>>, vector<2048x8xf32>
    tpu.vector_store %arg2[%swap3A_83, %swap3A_84], %concatenate3A_82 {strides = array<i32>} : memref<2048x8xf32, #tpu.memory_space<vmem>>, vector<2048x8xf32>,
    return
  }
}

module attributes {stable_mosaic.version = 14 : i64} {
  func.func @_dispatch_kernel_f32(%arg0: i32, %arg1: memref<128x8xf32, #tpu.memory_space<vmem>>, %arg2: memref<128x5120xf32, #tpu.memory_space<vmem>>, %arg3: memref<128x5120xi32, #tpu.memory_space<vmem>>) attributes {dimension_semantics = [#tpu.dimension_semantics<arbitrary>], iteration_bounds = array<i64: 16>, scalar_prefetch = 0 : i64, scratch_operands = 0 : i64, tpu.core_type = #tpu.core_type<tc>, window_params = [{transform_indices = @transform_0, window_bounds = array<i64: 128, 8>}, {transform_indices = @transform_1, window_bounds = array<i64: 128, 5120>}, {transform_indices = @transform_2, window_bounds = array<i64: 128, 5120>}]} {
    %get3A = arith.constant 0 : index
    %get3A_0 = arith.constant 0 : index
    %get3A_1 = vector.load %arg1[%get3A, %get3A_0] : memref<128x8xf32, #tpu.memory_space<vmem>>, vector<128x8xf32>
    %slice3A = vector.extract_strided_slice %get3A_1 {offsets = [0, 0], sizes = [128, 1], strides = [1, 1]} : vector<128x8xf32> to vector<128x1xf32>
    %convert_element_type3A = arith.fptosi %slice3A : vector<128x1xf32> to vector<128x1xi32>
    %slice3A_2 = vector.extract_strided_slice %get3A_1 {offsets = [0, 1], sizes = [128, 1], strides = [1, 1]} : vector<128x8xf32> to vector<128x1xf32>
    %convert_element_type3A_3 = arith.fptosi %slice3A_2 : vector<128x1xf32> to vector<128x1xi32>
    %slice3A_4 = vector.extract_strided_slice %get3A_1 {offsets = [0, 2], sizes = [128, 1], strides = [1, 1]} : vector<128x8xf32> to vector<128x1xf32>
    %slice3A_5 = vector.extract_strided_slice %get3A_1 {offsets = [0, 3], sizes = [128, 1], strides = [1, 1]} : vector<128x8xf32> to vector<128x1xf32>
    %slice3A_6 = vector.extract_strided_slice %get3A_1 {offsets = [0, 4], sizes = [128, 1], strides = [1, 1]} : vector<128x8xf32> to vector<128x1xf32>
    %convert_element_type3A_7 = arith.fptosi %slice3A_6 : vector<128x1xf32> to vector<128x1xi32>
    %slice3A_8 = vector.extract_strided_slice %get3A_1 {offsets = [0, 5], sizes = [128, 1], strides = [1, 1]} : vector<128x8xf32> to vector<128x1xf32>
    %convert_element_type3A_9 = arith.fptosi %slice3A_8 : vector<128x1xf32> to vector<128x1xi32>
    %lt3A = arith.constant 640 : i32
    %lt3A_10 = vector.broadcast %lt3A : i32 to vector<128x1xi32>
    %lt3A_11 = arith.cmpi slt, %convert_element_type3A_7, %lt3A_10 : vector<128x1xi32>
    %mul3A = arith.constant 640 : i32
    %mul3A_12 = vector.broadcast %mul3A : i32 to vector<128x1xi32>
    %mul3A_13 = arith.muli %convert_element_type3A, %mul3A_12 : vector<128x1xi32>
    %add3A = arith.addi %mul3A_13, %convert_element_type3A_7 : vector<128x1xi32>
    %jit3A = arith.constant -1 : i32
    %broadcast_in_dim3A = vector.broadcast %jit3A : i32 to vector<128x1xi32>
    %select_n3A = arith.select %lt3A_11, %add3A, %broadcast_in_dim3A : vector<128x1xi1>, vector<128x1xi32>
    %lt3A_14 = arith.constant 640 : i32
    %lt3A_15 = vector.broadcast %lt3A_14 : i32 to vector<128x1xi32>
    %lt3A_16 = arith.cmpi slt, %convert_element_type3A_9, %lt3A_15 : vector<128x1xi32>
    %mul3A_17 = arith.constant 640 : i32
    %mul3A_18 = vector.broadcast %mul3A_17 : i32 to vector<128x1xi32>
    %mul3A_19 = arith.muli %convert_element_type3A_3, %mul3A_18 : vector<128x1xi32>
    %add3A_20 = arith.addi %mul3A_19, %convert_element_type3A_9 : vector<128x1xi32>
    %jit3A_21 = arith.constant -1 : i32
    %broadcast_in_dim3A_22 = vector.broadcast %jit3A_21 : i32 to vector<128x1xi32>
    %select_n3A_23 = arith.select %lt3A_16, %add3A_20, %broadcast_in_dim3A_22 : vector<128x1xi1>, vector<128x1xi32>
    %iota3A = tpu.iota {dimensions = array<i32: 1>} : vector<128x5120xi32>
    %eq3A = vector.broadcast %select_n3A : vector<128x1xi32> to vector<128x5120xi32>
    %eq3A_24 = arith.cmpi eq, %iota3A, %eq3A : vector<128x5120xi32>
    %jit3A_25 = arith.constant 0.000000e+00 : f32
    %broadcast_in_dim3A_26 = vector.shape_cast %slice3A_4 : vector<128x1xf32> to vector<128x1xf32>
    %broadcast_in_dim3A_27 = vector.broadcast %broadcast_in_dim3A_26 : vector<128x1xf32> to vector<128x5120xf32>
    %broadcast_in_dim3A_28 = vector.broadcast %jit3A_25 : f32 to vector<128x5120xf32>
    %select_n3A_29 = arith.select %eq3A_24, %broadcast_in_dim3A_27, %broadcast_in_dim3A_28 : vector<128x5120xi1>, vector<128x5120xf32>
    %eq3A_30 = vector.broadcast %select_n3A_23 : vector<128x1xi32> to vector<128x5120xi32>
    %eq3A_31 = arith.cmpi eq, %iota3A, %eq3A_30 : vector<128x5120xi32>
    %jit3A_32 = arith.constant 0.000000e+00 : f32
    %broadcast_in_dim3A_33 = vector.shape_cast %slice3A_5 : vector<128x1xf32> to vector<128x1xf32>
    %broadcast_in_dim3A_34 = vector.broadcast %broadcast_in_dim3A_33 : vector<128x1xf32> to vector<128x5120xf32>
    %broadcast_in_dim3A_35 = vector.broadcast %jit3A_32 : f32 to vector<128x5120xf32>
    %select_n3A_36 = arith.select %eq3A_31, %broadcast_in_dim3A_34, %broadcast_in_dim3A_35 : vector<128x5120xi1>, vector<128x5120xf32>
    %add3A_37 = arith.addf %select_n3A_29, %select_n3A_36 : vector<128x5120xf32>
    %swap3A = arith.constant 0 : index
    %swap3A_38 = arith.constant 0 : index
    %swap3A_39 = vector.load %arg2[%swap3A, %swap3A_38] : memref<128x5120xf32, #tpu.memory_space<vmem>>, vector<128x5120xf32>
    tpu.vector_store %arg2[%swap3A, %swap3A_38], %add3A_37 {strides = array<i32>} : memref<128x5120xf32, #tpu.memory_space<vmem>>, vector<128x5120xf32>,
    %ne3A = arith.constant 0.000000e+00 : f32
    %ne3A_40 = vector.broadcast %ne3A : f32 to vector<128x5120xf32>
    %ne3A_41 = arith.cmpf one, %add3A_37, %ne3A_40 : vector<128x5120xf32>
    %swap3A_42 = arith.constant 0 : index
    %swap3A_43 = arith.constant 0 : index
    %swap3A_44 = vector.load %arg3[%swap3A_42, %swap3A_43] : memref<128x5120xi32, #tpu.memory_space<vmem>>, vector<128x5120xi32>
    %swap3A_45 = arith.extui %ne3A_41 : vector<128x5120xi1> to vector<128x5120xi32>
    %swap3A_46 = arith.constant dense<0> : vector<128x5120xi32>
    %swap3A_47 = arith.cmpi ne, %swap3A_44, %swap3A_46 : vector<128x5120xi32>
    tpu.vector_store %arg3[%swap3A_42, %swap3A_43], %swap3A_45 {strides = array<i32>} : memref<128x5120xi32, #tpu.memory_space<vmem>>, vector<128x5120xi32>,
    return
  }
  func.func @transform_0(%arg0: i32) -> (i32, i32) {
    %c0_i32 = arith.constant 0 : i32
    %c0_i32_0 = arith.constant 0 : i32
    return %arg0, %c0_i32 : i32, i32
  }
  func.func @transform_1(%arg0: i32) -> (i32, i32) {
    %c0_i32 = arith.constant 0 : i32
    %c0_i32_0 = arith.constant 0 : i32
    return %arg0, %c0_i32 : i32, i32
  }
  func.func @transform_2(%arg0: i32) -> (i32, i32) {
    %c0_i32 = arith.constant 0 : i32
    %c0_i32_0 = arith.constant 0 : i32
    return %arg0, %c0_i32 : i32, i32
  }
}

</mosaic_0001>

<sc_bundles>
// kernel: sparse-core-data-format-call.cloned.1.call-start
scs
called_computation_lowered:
.L_overlay_start_0:
0x0: {  	s2 =	sld [smem:$0x3FD9]  }
0x1: {  	s3 =	sld [smem:$0x3FFE];
	_ =	sdelay $0x1  }
0x2: {  	s1 =	srdreg.scid  }
0x3: {  	s0 =	sand.u32 $0x1, s1  }
0x4: {  	s15 =	sshll.u32 s0, $0xA;
	s2 =	sadd.s32 s3, s2  }
0x5: {  	s2 =	sadd.s32 s2, s15  }
0x6: {  	[smem:$0x3FC6] =	sst s2  }
0x7: {  	_ = 	snop  }
0x8: {  	s2 =	sld [smem:$0x3FD0];
	_ =	sdelay $0x2  }
0x9: {  	s16 =	simm.s32 $0xA;
	s4 =	simm.s32 $0x10  }
0xa: {  	[smem:s4], [sflag:s16] =	dma.local [hbm:s2], $0x1  }
0xb: {  	_ =	swait.eq [sflag:s16], $0x1  }
0xc: {  	[sflag:s16] =	ssyncset.done $0x0  }
0xd: {  	[sflag:s16] =	ssyncadd.s32 $0xFFFFFFFF  }
0xe: {  	s17 =	sld [smem:$0x11];
	(tm) =	ssettm $0x1  }
0xf: {  	s18 =	sld [smem:$0x3FFB];
	_ =	sdelay $0x3  }
0x10: {  	_ =	strace s18  }
0x11: {  	s3 =	sld [smem:$0x3FFC];
	_ =	sdelay $0x3  }
0x12: {  	_ =	strace s3  }
0x13: {  	s3 =	sld [smem:$0x3FFD];
	_ =	sdelay $0x3  }
0x14: {  	_ =	strace s3  }
0x15: {  	_ =	strace $0x8FFFFFFF  }
0x16: {  	s19 =	sld [smem:$0x3FDB];
	_ =	sdelay $0x1  }
0x17: {  	s20 =	simm.s32 $_scs_section_size  }
0x18: {  	s5 =	simm.s32 $_size__tile_overlayer_lowered;
	s6 =	simm.s32 $_tile_overlayer_lowered  }
0x19: {  	s23 =	simm.s32 $0x1BFF;
	s22 =	sshll.u32 s6, $0x1;
	s3 =	sadd.s32 s20, s19  }
0x1a: {  	s7 =	simm.s32 $0x0;
	s21 =	sshll.u32 s5, $0x1;
	s5 =	sadd.s32 s22, s3  }
0x1b: {  	[timem:s7], [sflag:s23] =	dma.local [hbm:s5], s21  }
0x1c: {  	_ =	swait.ge [sflag:s23], s21  }
0x1d: {  	s4 =	ssub.s32 $0x0, s21;
	[sflag:s23] =	ssyncset.done $0x0  }
0x1e: {  	[sflag:s23] =	ssyncadd.s32 s4;
	_ =	sdelay $0x1  }
0x1f: {  	s24 =	simm.s32 $0x1B8B  }
0x20: {  	_ =	swait.ge [sflag:s24], $0x1  }
0x21: {  	[sflag:s24] =	ssyncset.done $0x0  }
0x22: {  	s26 =	simm.s32 $0x1B8E;
	s25 =	sld [smem:$0x3FFE];
	[sflag:s24] =	ssyncadd.s32 $0xFFFFFFFF  }
0x23: {  	s27 =	simm.s32 $execute0_lowered;
	[smem:$0x3FD2] =	sst s26  }
0x24: {  	s5 =	sshll.u32 s27, $0x1;
	_ =	strace $0x80000046;
	[dreg:$0x1] =	wrdreg $0xFFFFFFFF  }
0x25: {  	s28 =	simm.s32 $_size_execute0_lowered;
	s3 =	sadd.s32 s3, s5;
	[dreg:$0x0] =	wrdreg $0x0  }
0x26: {  	s5 =	sshll.u32 s28, $0x1;
	[dreg:$0x2] =	wrdreg s3  }
0x27: {  	[dreg:$0x3] =	wrdreg s5  }
0x28: {  	[dreg:$0x4] =	wrdreg $0xC0  }
0x29: {  	_ =	task [dreg:s7], $0x5FFFF  }
0x2a: {  	[dreg:$0x1] =	wrdreg $0xFFFFFFFF  }
0x2b: {  	[dreg:$0x0] =	wrdreg $0x60  }
0x2c: {  	[dreg:$0x2] =	wrdreg s25  }
0x2d: {  	[dreg:$0x3] =	wrdreg s17  }
0x2e: {  	[dreg:$0x4] =	wrdreg $0x9  }
0x2f: {  	_ =	task.clear_ibuf [dreg:s7], $0x5FFFF;
	_ =	strace $0x90000046  }
0x30: {  	s29 =	simm.s32 $0x9;
	_ =	strace $0x80000048  }
0x31: {  	_ =	swait.ge [sflag:s29], $0x1  }
0x32: {  	[sflag:s29] =	ssyncadd.s32 $0xFFFFFFFF  }
0x33: {  	_ =	strace $0x90000048  }
0x34: {  	_ =	sfence  }
0x35: {  	s30 =	sld [smem:$0x0];
	_ =	sdelay $0x2  }
0x36: {  	s31 =	sshll.u32 s1, $0xD;
	s1 =	sshrl.u32 s1, $0x2  }
0x37: {  	s3 =	sand.u32 $0x4000, s31;
	s1 =	sadd.s32 s1, s30  }
0x38: {  	s0 =	sor.u32 s3, s0;
	s1 =	sshll.u32 s1, $0x11  }
0x39: {  	s0 =	sor.u32 s1, s0  }
0x3a: {  	s0 =	sadd.s32 $0x8F2B, s0  }
0x3b: {  	[sflag:s0] =	ssyncadd.remote.s32 $0x1  }
0x3c: {  	_ =	sfence.sel $0xFFFF  }
0x3d: {  	[dreg:$0x0] =	wrdreg $0xFFFFFFFF;
	(pc) =	sbr.abs _section_cstart, $3  }
0x3e: {  	[dreg:$0x1] =	wrdreg $0xFFFFFFFF  }
0x3f: {  	_ =	task.clear_ibuf [dreg:s7], $0x2FFFF;
	_ =	strace $0x9FFFFFFF  }
0x40: {  	(tm) =	ssettm $0x7FFFFFFF  }
0x41: {  	_ =	shalt  }
tec
execute0_lowered:
.L_overlay_start_1:
0x0: {  	(tag) =	ssettag $0x1  }
0x1: {  	s0 =	srdreg.scid  }
0x2: {  	s6 =	rddreg [dreg:$0x0];
	s1 =	sshll.u32 s0, $0x4  }
0x3: {  	s4 =	simm.s32 $0x1;
	s0 =	stileid.u32;
	s1 =	sand.u32 $0x10, s1  }
0x4: {  	s7 =	simm.s32 $0x2;
	s16 =	simm.s32 $0x0;
	s1 =	sor.u32 s0, s1  }
0x5: {  	s8 =	simm.s32 $0x1400;
	s9 =	simm.s32 $0x0;
	s2 =	sshll.u32 s1, $0x1  }
0x6: {  	s15 =	simm.s32 $0x0;
	s18 =	simm.s32 $0x0;
	s1 =	ssub.s32 $0x100, s2  }
0x7: {  	s17 =	simm.s32 $0x0;
	s10 =	simm.s32 $0x0;
	s3 =	sand.u32 $0x3E, s1  }
0x8: {  	s11 =	simm.s32 $0x0;
	s5 =	sshrl.u32 s1, $0x6;
	p0 =	sne.s32 s3, $0x0  }
.Ltmp0:
0x9: {  	s1 =	rddreg [dreg:$0x2];
	s4 =	simm.s32 @!p0 $0x0;
	(pc) =	sbr.rel .LBB1_1-.Ltmp0, $4  }
0xa: {  	s12 =	simm.s32 $0x0;
	s3 =	rddreg [dreg:$0x1];
	s5 =	sadd.s32 s4, s5  }
0xb: {  	_ =	strace $0x80000047;
	s4 =	simm.s32 $0x1;
	s5 =	smul.u32 $0x5, s5  }
0xc: {  	s14 =	simm.s32 $0x0;
	s6 =	sadd.s32 $0x140C00, s6;
	[sflag:s4] =	ssyncpa.u1 $0x0  }
0xd: {  	s13 =	smov.u32 s2;
	[sflag:s7] =	ssyncpa.u1 $0x0;
	s7 =	sadd.s32 $0x1, s5  }
.LBB1_9:
0xe: {  	s19 =	sadd.s32 $0x80, s10  }
0xf: {  	s15 =	sadd.s32 $0x8, s11;
	s20 =	smov.u32 s11;
	p1 =	sgt.s32 s19, $0x27F  }
0x10: {  	s20 =	smov.u32 @p1 s15  }
0x11: {  	s21 =	smov.u32 s12;
	s15 =	sadd.s32 $0x8, s12;
	p2 =	sgt.s32 s20, $0x7  }
0x12: {  	s21 =	smov.u32 @p2 s15  }
0x13: {  	s22 =	smov.u32 s13;
	s15 =	sadd.s32 $0x40, s13;
	p3 =	sgt.s32 s21, $0x7  }
0x14: {  	p0 =	slt.u32 s14, $0x2;
	s22 =	smov.u32 @p3 s15  }
0x15: {  	s16 =	smov.u32 s10;
	s19 =	simm.s32 @p1 $0x0;
	p1 =	sgt.s32 s22, $0xFF  }
0x16: {  	s23 =	simm.s32 @!p0 $0x2;
	s22 =	smov.u32 @p1 s2;
	p1 =	sne.s32 s14, s7  }
.Ltmp1:
0x17: {  	s18 =	smov.u32 s12;
	_ =	swait.ge @!p0 [sflag:s23], $0x4000;
	(pc) =	sbr.rel @!p1 .LBB1_10-.Ltmp1, $4  }
0x18: {  	s17 =	smov.u32 s13;
	s9 =	sadd.s32 $0x4000, s9;
	[sflag:s23] =	ssyncset.done @!p0 $0x0  }
0x19: {  	s10 =	smov.u32 s19;
	s20 =	simm.s32 @p2 $0x0;
	[sflag:s23] =	ssyncadd.s32 @!p0 $0xFFFFC000  }
0x1a: {  	s21 =	simm.s32 @p3 $0x0;
	s15 =	smov.u32 s11;
	s11 =	smov.u32 s20  }
0x1b: {  	s12 =	smov.u32 s21;
	s14 =	sadd.s32 $0x1, s14;
	s13 =	smov.u32 s22  }
.LBB1_1:
0x1c: {  	p0 =	sge.u32 s14, s5  }
0x1d: {  	s19 =	sshrl.u32 @!p0 s11, $0x3  }
0x1e: {  	s20 =	sshll.u32 @!p0 s10, $0x3;
	s19 =	smul.u32 @!p0 $0x1400, s19  }
0x1f: {  	s21 =	sshll.u32 @!p0 s11, $0x7;
	s20 =	sand.u32 @!p0 $0xFFFFFC00, s20  }
0x20: {  	s19 =	sadd.s32 @!p0 s19, s20;
	s20 =	sand.u32 @!p0 $0x380, s21  }
0x21: {  	s21 =	sand.u32 @!p0 $0x7F, s10;
	s19 =	sor.u32 @!p0 s20, s19  }
0x22: {  	s20 =	sor.u32 @!p0 s21, s19  }
0x23: {  	s21 =	smulhi.u32 @!p0 $0xCCCCCCCD, s20  }
0x24: {  	s19 =	smulhi.u32 @!p0 $0xCCCCCCCD, s19  }
0x25: {  	s31 =	sadd.s32 $0xFFFFFFFF, s14;
	s23 =	smul.u32 @!p0 $0x1400, s13;
	s21 =	sshrl.u32 @!p0 s21, $0x9  }
0x26: {  	s22 =	sxor.u32 @!p0 $0xFFFFFFFF, s14;
	s19 =	sshrl.u32 @!p0 s19, $0x9;
	s21 =	smul.u32 @!p0 $0x280, s21  }
0x27: {  	s24 =	smul.u32 @!p0 $0x280, s12;
	s22 =	sshll.u32 @!p0 s22, $0xE;
	s19 =	sand.u32 @!p0 $0x7, s19  }
0x28: {  	s19 =	smul.u32 @!p0 $0x50, s19;
	s20 =	ssub.s32 @!p0 s20, s21;
	s21 =	sadd.s32 @!p0 s6, s23  }
0x29: {  	s22 =	sand.u32 @!p0 $0x4000, s22;
	s21 =	sadd.s32 @!p0 s24, s21;
	s23 =	sand.u32 @!p0 $0x7, s20  }
0x2a: {  	s20 =	sshrl.u32 @!p0 s20, $0x3;
	s19 =	sadd.s32 @!p0 s19, s21;
	s21 =	sshll.u32 @!p0 s23, $0x12  }
0x2b: {  	s19 =	sadd.s32 @!p0 s20, s19;
	s20 =	sor.u32 @!p0 $0x400, s21;
	s21 =	simm.s32 @!p0 $0x1400  }
0x2c: {  	[tilespmem:s22], [sflag:$0x1] =	stream.strided.gather @!p0 [hbm4b:s19+s20], $0x4000, s21, s20, $0x38;
	[tilespmem:$0x10000] =	vst v63  }
0x2d: {  	p0 =	sge.u32 s31, s5  }
.Ltmp2:
0x2e: {  	_ = 	snop;
	(pc) =	sbr.rel @p0 .LBB1_9-.Ltmp2, $1  }
0x2f: {  	_ =	sdelay $0x3  }
0x30: {  	s19 =	sshll.u32 s9, $0x2  }
0x31: {  	_ =	swait.ge [sflag:s4], $0x4000;
	s20 =	sshll.u32 s14, $0xE;
	s22 =	simm.s32 $0x0  }
0x32: {  	p1 =	por $0x1, $0x1;
	s19 =	sand.u32 $0x10000, s19;
	[sflag:s4] =	ssyncset.done $0x0  }
0x33: {  	s20 =	sand.u32 $0x4000, s20;
	s21 =	sshrl.u32 s19, $0x2;
	[sflag:s4] =	ssyncadd.s32 $0xFFFFC000  }
0x34: {  	s19 =	sor.u32 $0x8000, s20;
	s20 =	sadd.s32 $0x8040, s21;
	s21 =	sadd.s32 $0x40, s21  }
.LBB1_3:
0x35: {  	s22 =	sshll.u32 s22, $0x2  }
0x36: {  	p0 =	por p1, p1;
	s23 =	sshra.s32 s22, $0x2  }
0x37: {  	s24 =	simm.s32 $0x0;
	s22 =	sadd.s32 s23, s20;
	s23 =	sadd.s32 s23, s21  }
.LBB1_4:
0x38: {  	v0 =	vmov s23;
	_ =	sdelay $0x3  }
0x39: {  	s26 =	simm.s32 $0x0  }
0x3a: {  	v6 =	vld.idx.msk [tilespmem:v0+s26+$0x30 ss:$0x1], $0xffff  }
0x3b: {  	v7 =	vld.idx.msk [tilespmem:v0+s26+$0xFFFFFFC0 ss:$0x1], $0xffff  }
0x3c: {  	v5 =	vld.idx.msk [tilespmem:v0+s26+$0xFFFFFFD0 ss:$0x1], $0xffff  }
0x3d: {  	v4 =	vld.idx.msk [tilespmem:v0+s26+$0xFFFFFFE0 ss:$0x1], $0xffff  }
0x3e: {  	v3 =	vld.idx.msk [tilespmem:v0+s26+$0xFFFFFFF0 ss:$0x1], $0xffff  }
0x3f: {  	v1 =	vld.idx.msk [tilespmem:v0+s26+$0x0 ss:$0x1], $0xffff  }
0x40: {  	v2 =	vld.idx.msk [tilespmem:v0+s26+$0x10 ss:$0x1], $0xffff;
	[tilespmem:s22+$0x30] =	vst v6  }
0x41: {  	s25 =	simm.s32 $0x80;
	s27 =	simm.s32 $0x400;
	[tilespmem:s22+$0xFFFFFFC0] =	vst v7;
	v6 =	vld.idx.msk [tilespmem:v0+s26+$0x20 ss:$0x1], $0xffff;
	s26 =	smov.u32 s22  }
.LBB1_5:
0x42: {  	p1 =	sne.s32 s27, $0xE00;
	v7 =	vld.idx.msk [tilespmem:v0+s25+$0x30 ss:$0x1], $0xffff;
	[tilespmem:s26+$0xFFFFFFD0] =	vst v5  }
0x43: {  	v8 =	vld.idx.msk [tilespmem:v0+s25+$0xFFFFFFC0 ss:$0x1], $0xffff;
	[tilespmem:s26+$0xFFFFFFE0] =	vst v4  }
0x44: {  	v5 =	vld.idx.msk [tilespmem:v0+s25+$0xFFFFFFD0 ss:$0x1], $0xffff;
	[tilespmem:s26+$0xFFFFFFF0] =	vst v3  }
.Ltmp3:
0x45: {  	v4 =	vld.idx.msk [tilespmem:v0+s25+$0xFFFFFFE0 ss:$0x1], $0xffff;
	[tilespmem:s26+$0x0] =	vst v1;
	(pc) =	sbr.rel @p1 .LBB1_5-.Ltmp3, $4  }
0x46: {  	v3 =	vld.idx.msk [tilespmem:v0+s25+$0xFFFFFFF0 ss:$0x1], $0xffff;
	[tilespmem:s26+$0x10] =	vst v2  }
0x47: {  	v1 =	vld.idx.msk [tilespmem:v0+s25+$0x0 ss:$0x1], $0xffff;
	[tilespmem:s26+$0x20] =	vst v6;
	s26 =	sadd.s32 $0x400, s26  }
0x48: {  	v2 =	vld.idx.msk [tilespmem:v0+s25+$0x10 ss:$0x1], $0xffff;
	[tilespmem:s26+$0x30] =	vst v7  }
0x49: {  	[tilespmem:s26+$0xFFFFFFC0] =	vst v8;
	v6 =	vld.idx.msk [tilespmem:v0+s25+$0x20 ss:$0x1], $0xffff;
	s25 =	sshra.s32 s27, $0x2;
	s27 =	sadd.s32 $0x200, s27  }
0x4a: {  	_ =	sdelay $0x2  }
0x4b: {  	[tilespmem:s26+$0xFFFFFFD0] =	vst v5  }
0x4c: {  	v56 =	vld.idx.msk [tilespmem:v0+s25+$0x30 ss:$0x1], $0xffff;
	[tilespmem:s26+$0xFFFFFFE0] =	vst v4  }
0x4d: {  	v57 =	vld.idx.msk [tilespmem:v0+s25+$0xFFFFFFC0 ss:$0x1], $0xffff;
	[tilespmem:s26+$0xFFFFFFF0] =	vst v3  }
0x4e: {  	v58 =	vld.idx.msk [tilespmem:v0+s25+$0xFFFFFFD0 ss:$0x1], $0xffff;
	[tilespmem:s26+$0x0] =	vst v1  }
0x4f: {  	v59 =	vld.idx.msk [tilespmem:v0+s25+$0xFFFFFFE0 ss:$0x1], $0xffff;
	[tilespmem:s26+$0x10] =	vst v2  }
0x50: {  	v60 =	vld.idx.msk [tilespmem:v0+s25+$0xFFFFFFF0 ss:$0x1], $0xffff;
	s31 =	sadd.s32 $0x400, s26;
	[tilespmem:s26+$0x20] =	vst v6  }
0x51: {  	v61 =	vld.idx.msk [tilespmem:v0+s25+$0x0 ss:$0x1], $0xffff;
	[tilespmem:s31+$0x30] =	vst v56  }
0x52: {  	v62 =	vld.idx.msk [tilespmem:v0+s25+$0x10 ss:$0x1], $0xffff;
	s24 =	sadd.s32 $0x1, s24;
	[tilespmem:s31+$0xFFFFFFC0] =	vst v57  }
0x53: {  	v63 =	vld.idx.msk [tilespmem:v0+s25+$0x20 ss:$0x1], $0xffff;
	p1 =	sne.s32 s24, $0x8;
	[tilespmem:s31+$0xFFFFFFD0] =	vst v58  }
.Ltmp4:
0x54: {  	[tilespmem:s31+$0xFFFFFFE0] =	vst v59;
	(pc) =	sbr.rel @p1 .LBB1_4-.Ltmp4, $4  }
0x55: {  	[tilespmem:s31+$0xFFFFFFF0] =	vst v60  }
0x56: {  	[tilespmem:s31+$0x0] =	vst v61  }
0x57: {  	[tilespmem:s31+$0x10] =	vst v62  }
0x58: {  	s22 =	sadd.s32 $0x80, s22;
	s23 =	sadd.s32 $0x400, s23;
	[tilespmem:s31+$0x20] =	vst v63  }
.Ltmp5:
0x59: {  	(pc) =	sbr.rel @p0 .LBB1_3-.Ltmp5, $2  }
0x5a: {  	_ =	sdelay $0x2  }
0x5b: {  	s22 =	simm.s32 $0x2000;
	p1 =	por $0x0, $0x0  }
0x5c: {  	s20 =	sshrl.u32 s18, $0x3  }
0x5d: {  	s21 =	sshll.u32 s16, $0x3;
	s20 =	smul.u32 $0x1400, s20  }
0x5e: {  	s27 =	sshll.u32 s18, $0x7;
	s21 =	sand.u32 $0xFFFFFC00, s21  }
0x5f: {  	s18 =	sand.u32 $0x380, s27;
	s20 =	sadd.s32 s20, s21  }
0x60: {  	s28 =	sand.u32 $0x7F, s16;
	s18 =	sor.u32 s18, s20  }
0x61: {  	s16 =	sor.u32 s28, s18;
	s18 =	smulhi.u32 $0xCCCCCCCD, s18  }
0x62: {  	s29 =	smulhi.u32 $0xCCCCCCCD, s16  }
0x63: {  	s17 =	smul.u32 $0x1400, s17  }
0x64: {  	s15 =	smul.u32 $0x280, s15;
	s18 =	sshrl.u32 s18, $0x9;
	s20 =	sshrl.u32 s29, $0x9  }
0x65: {  	s18 =	sand.u32 $0x7, s18;
	s20 =	smul.u32 $0x280, s20  }
0x66: {  	s18 =	smul.u32 $0x50, s18  }
.Ltmp6:
0x67: {  	s17 =	sadd.s32 s3, s17;
	s16 =	ssub.s32 s16, s20;
	(pc) =	sbr.rel .LBB1_9-.Ltmp6, $4  }
0x68: {  	s15 =	sadd.s32 s15, s17;
	s30 =	sand.u32 $0x7, s16  }
0x69: {  	s15 =	sadd.s32 s18, s15;
	s16 =	sshrl.u32 s16, $0x3;
	s17 =	sshll.u32 s30, $0x12  }
0x6a: {  	s15 =	sadd.s32 s16, s15;
	s31 =	sor.u32 $0x400, s17  }
0x6b: {  	[hbm4b:s15+s31] =	stream.strided.scatter [tilespmem:s19], [sflag:$0x2], $0x4000, s8, s31, $0x38;
	[tilespmem:$0x10000] =	vst v63  }
.LBB1_10:
0x6c: {  	_ =	sfence.sel $0x180000  }
0x6d: {  	s2 =	simm.s32 $0x1;
	[bflag:$0x0] =	sbarrier.arrive $0xFFFF  }
0x6e: {  	s31 =	simm.s32 $0x2;
	[sflag:s2] =	ssyncpa.u1 $0x1  }
0x6f: {  	[sflag:s31] =	ssyncpa.u1 $0x1  }
0x70: {  	p0 =	sne.s32 s0, $0x0;
	_ =	strace $0x90000047  }
0x71: {  	s0 =	sadd.s32 @!p0 $0x100000, s1;
	[bflag:$0x2] =	sbarrier.arrive $0xFFFF  }
0x72: {  	[sflag:s0] =	ssyncadd.tile.s32 @!p0 $0x1;
	_ =	shalt  }
.Lfunc_end1:
_tile_overlayer_lowered:
.L_overlay_start_2:
0x73: {  	(tag) =	ssettag $0x2  }
0x74: {  	s0 =	rddreg [dreg:$0x0];
	s2 =	stileid.u32  }
0x75: {  	s1 =	rddreg [dreg:$0x1];
	p0 =	sne.s32 s2, $0x0  }
0x76: {  	s3 =	rddreg [dreg:$0x2];
	[bflag:$0x3] =	sbarrier.arrive $0xFFFF;
	s2 =	simm.s32 @!p0 $0x1C01  }
0x77: {  	[timem:s3], [sflag:s2] =	dma.local @!p0 [hbm:s0], s1  }
0x78: {  	s0 =	simm.s32 @!p0 $0x1  }
0x79: {  	_ =	swait.ge @!p0 [sflag:s0], s1  }
0x7a: {  	s1 =	ssub.s32 @!p0 $0x0, s1;
	[sflag:s0] =	ssyncset.done @!p0 $0x0  }
0x7b: {  	[sflag:s0] =	ssyncadd.s32 @!p0 s1  }
0x7c: {  	[bflag:$0x3] =	sbarrier.arrive $0xFFFF  }
0x7d: {  	_ =	shalt  }

</sc_bundles>
